<compile_context>
chip_gen: v7x
topology: tpu7x:2x2x1
jax: 0.10.2.dev20260603
libtpu: 0.0.44.dev20260713+nightly
codegen_flags: <defaults>
</compile_context>

<pallas_src>
import functools

import jax
import jax.numpy as jnp
from jax import lax
from jax.experimental import pallas as pl
from jax.experimental.pallas import tpu as pltpu
from jax.experimental.pallas import tpu_sc as plsc

N = 100000
N_SPECIES = 119
L = 16
NS = 16
P = 6272

_mesh = plsc.VectorSubcoreMesh(
    core_axis_name="c", subcore_axis_name="s", num_cores=1)


@functools.partial(
    pl.kernel,
    mesh=_mesh,
    out_type=jax.ShapeDtypeStruct((N,), jnp.float32),
    scratch_types=[
        pltpu.VMEM((P,), jnp.float32),
        pltpu.VMEM((P,), jnp.int32),
        pltpu.VMEM((P,), jnp.float32),
        pltpu.VMEM((N_SPECIES,), jnp.float32),
        pltpu.SemaphoreType.DMA,
    ],
    compiler_params=pltpu.CompilerParams(
        needs_layout_passes=False,
        disable_bounds_checks=True,
        disable_semaphore_checks=True,
        skip_device_barrier=True,
    ),
)
def _per_species_offset(x_hbm, z_hbm, off_hbm, out_hbm, x_v, z_v, o_v, tab_v,
                        sem):
    wid = lax.axis_index("s")
    base = jnp.minimum(wid * P, N - P)

    tab_cp = pltpu.async_copy(off_hbm, tab_v, sem)
    x_cp = pltpu.async_copy(x_hbm.at[pl.ds(base, P)], x_v, sem)
    z_cp = pltpu.async_copy(z_hbm.at[pl.ds(base, P)], z_v, sem)
    tab_cp.wait()
    x_cp.wait()
    z_cp.wait()

    @plsc.parallel_loop(0, P, L, unroll=4)
    def _(s):
        o_v[pl.ds(s, L)] = x_v[pl.ds(s, L)] + plsc.load_gather(
            tab_v, [z_v[pl.ds(s, L)]])

    pltpu.sync_copy(o_v, out_hbm.at[pl.ds(base, P)])


def kernel(x, Z, offsets):
    return _per_species_offset(x, Z.astype(jnp.int32), offsets)

# --- scband reference (transcript-rebuilt; emitter-appended) ---
"""Pipeline reference for scband-per-species-offset-75350906241697 (READ-ONLY COPY).

The authoritative reference and input builder live on the scoring server;
editing this copy changes nothing except your own understanding.
"""

import jax, jax.numpy as jnp
import numpy as np

N_ATOMS = 100000
N_SPECIES = 119

def setup_inputs(seed: int = 0) -> dict:
    key = jax.random.key(seed)
    k1, k2, k3 = jax.random.split(key, 3)
    x = jax.random.normal(k1, (N_ATOMS,), dtype=jnp.float32)
    Z = jax.random.randint(k2, (N_ATOMS,), 0, N_SPECIES, dtype=jnp.int64)
    # learned per-species offsets parameter (PerSpeciesParameter.values)
    offsets = jax.random.normal(k3, (N_SPECIES,), dtype=jnp.float32)
    return {"x": x, "Z": Z, "offsets": offsets}

def reference(x, Z, offsets):
    # PerSpeciesOffset.forward with op=torch.add on a local (per-atom) property:
    #   per_atom_offsets = self.offsets[graph.Z]  (embedding gather by atomic number)
    #   return x + per_atom_offsets
    # x has shape [n_atoms], so is_local_property is True and no per-structure sum is taken.
    per_atom_offsets = jnp.take(offsets, Z, axis=0)
    return x + per_atom_offsets

if __name__ == "__main__":
    import jax
    _d = setup_inputs()
    print(jax.jit(kernel)(*tuple(_d.values())))

</pallas_src>

<mosaic_0001>
#map = affine_map<(d0, d1) -> (0)>
module attributes {stable_mosaic.version = 14 : i64} {
  func.func @_per_species_offset(%arg0: i32, %arg1: i32, %arg2: memref<100000xf32, #tpu.memory_space<hbm>>, %arg3: memref<100000xi32, #tpu.memory_space<hbm>>, %arg4: memref<119xf32, #tpu.memory_space<hbm>>, %arg5: memref<100000xf32, #tpu.memory_space<hbm>>, %arg6: memref<6272xf32, #tpu.memory_space<vmem>>, %arg7: memref<6272xi32, #tpu.memory_space<vmem>>, %arg8: memref<6272xf32, #tpu.memory_space<vmem>>, %arg9: memref<119xf32, #tpu.memory_space<vmem>>, %arg10: memref<!tpu.dma_semaphore, #tpu.memory_space<semaphore_mem>>) attributes {dimension_semantics = [#tpu.dimension_semantics<core_parallel>, #tpu.dimension_semantics<subcore_parallel>], iteration_bounds = array<i64: 1, 16>, scalar_prefetch = 0 : i64, scratch_operands = 5 : i64, tpu.core_type = #tpu.core_type<sc_vector_subcore>, window_params = [{transform_indices = #map}, {transform_indices = #map}, {transform_indices = #map}, {transform_indices = #map}]} {
    %mul3A = arith.constant 6272 : i32
    %mul3A_0 = arith.muli %arg1, %mul3A : i32
    %min3A = arith.constant 93728 : i32
    %min3A_1 = arith.minsi %mul3A_0, %min3A : i32
    tpu.enqueue_dma source(%arg4 : memref<119xf32, #tpu.memory_space<hbm>>) target(%arg9 : memref<119xf32, #tpu.memory_space<vmem>>) target_semaphore(%arg10 : memref<!tpu.dma_semaphore, #tpu.memory_space<semaphore_mem>>)
    %dma_start3A = tpu.memref_slice %arg2[%min3A_1] : memref<100000xf32, #tpu.memory_space<hbm>> -> memref<6272xf32, #tpu.memory_space<hbm>>
    %dma_start3A_2 = tpu.memref_slice %arg2[%min3A_1] : memref<100000xf32, #tpu.memory_space<hbm>> -> memref<6272xf32, #tpu.memory_space<hbm>>
    tpu.enqueue_dma source(%dma_start3A_2 : memref<6272xf32, #tpu.memory_space<hbm>>) target(%arg6 : memref<6272xf32, #tpu.memory_space<vmem>>) target_semaphore(%arg10 : memref<!tpu.dma_semaphore, #tpu.memory_space<semaphore_mem>>)
    %dma_start3A_3 = tpu.memref_slice %arg3[%min3A_1] : memref<100000xi32, #tpu.memory_space<hbm>> -> memref<6272xi32, #tpu.memory_space<hbm>>
    %dma_start3A_4 = tpu.memref_slice %arg3[%min3A_1] : memref<100000xi32, #tpu.memory_space<hbm>> -> memref<6272xi32, #tpu.memory_space<hbm>>
    tpu.enqueue_dma source(%dma_start3A_4 : memref<6272xi32, #tpu.memory_space<hbm>>) target(%arg7 : memref<6272xi32, #tpu.memory_space<vmem>>) target_semaphore(%arg10 : memref<!tpu.dma_semaphore, #tpu.memory_space<semaphore_mem>>)
    tpu.wait_dma2 semaphore(%arg10 : memref<!tpu.dma_semaphore, #tpu.memory_space<semaphore_mem>>) src(%arg4 : memref<119xf32, #tpu.memory_space<hbm>>) dst(%arg9 : memref<119xf32, #tpu.memory_space<vmem>>)
    %dma_wait3A = tpu.memref_slice %arg2[%min3A_1] : memref<100000xf32, #tpu.memory_space<hbm>> -> memref<6272xf32, #tpu.memory_space<hbm>>
    %dma_wait3A_5 = tpu.memref_slice %arg2[%min3A_1] : memref<100000xf32, #tpu.memory_space<hbm>> -> memref<6272xf32, #tpu.memory_space<hbm>>
    tpu.wait_dma2 semaphore(%arg10 : memref<!tpu.dma_semaphore, #tpu.memory_space<semaphore_mem>>) src(%dma_wait3A_5 : memref<6272xf32, #tpu.memory_space<hbm>>) dst(%arg6 : memref<6272xf32, #tpu.memory_space<vmem>>)
    %dma_wait3A_6 = tpu.memref_slice %arg3[%min3A_1] : memref<100000xi32, #tpu.memory_space<hbm>> -> memref<6272xi32, #tpu.memory_space<hbm>>
    %dma_wait3A_7 = tpu.memref_slice %arg3[%min3A_1] : memref<100000xi32, #tpu.memory_space<hbm>> -> memref<6272xi32, #tpu.memory_space<hbm>>
    tpu.wait_dma2 semaphore(%arg10 : memref<!tpu.dma_semaphore, #tpu.memory_space<semaphore_mem>>) src(%dma_wait3A_7 : memref<6272xi32, #tpu.memory_space<hbm>>) dst(%arg7 : memref<6272xi32, #tpu.memory_space<vmem>>)
    %parallel_loop3A = arith.constant 0 : i32
    %parallel_loop3A_8 = arith.constant 6272 : i32
    %parallel_loop3A_9 = arith.constant 16 : i32
    scf.for %parallel_loop3A_10 = %parallel_loop3A to %parallel_loop3A_8 step %parallel_loop3A_9  : i32 {
      %parallel_loop3A_11 = arith.index_cast %parallel_loop3A_10 : i32 to index
      %parallel_loop3A_12 = tpu.vector_load %arg6[%parallel_loop3A_11] {strides = array<i32>} : memref<6272xf32, #tpu.memory_space<vmem>>, vector<16xf32>,
      %parallel_loop3A_13 = arith.index_cast %parallel_loop3A_10 : i32 to index
      %parallel_loop3A_14 = tpu.vector_load %arg7[%parallel_loop3A_13] {strides = array<i32>} : memref<6272xi32, #tpu.memory_space<vmem>>, vector<16xi32>,
      %parallel_loop3A_15 = tpu.vector_load_idx %arg9[%parallel_loop3A_14] : memref<119xf32, #tpu.memory_space<vmem>>[vector<16xi32>], vector<16xf32>,
      %parallel_loop3A_16 = arith.addf %parallel_loop3A_12, %parallel_loop3A_15 : vector<16xf32>
      %parallel_loop3A_17 = arith.index_cast %parallel_loop3A_10 : i32 to index
      %parallel_loop3A_18 = tpu.vector_load %arg8[%parallel_loop3A_17] {strides = array<i32>} : memref<6272xf32, #tpu.memory_space<vmem>>, vector<16xf32>,
      tpu.vector_store %arg8[%parallel_loop3A_17], %parallel_loop3A_16 {strides = array<i32>} : memref<6272xf32, #tpu.memory_space<vmem>>, vector<16xf32>,
    } {sc.loop_unroll_factor = 4 : i64, sc.parallel_access}
    "tpu.region"() ({
      %run_scoped3A = tpu.sem_alloc : memref<!tpu.dma_semaphore, #tpu.memory_space<semaphore_mem>>
      %dma_start3A_10 = tpu.memref_slice %arg5[%min3A_1] : memref<100000xf32, #tpu.memory_space<hbm>> -> memref<6272xf32, #tpu.memory_space<hbm>>
      %dma_start3A_11 = tpu.memref_slice %arg5[%min3A_1] : memref<100000xf32, #tpu.memory_space<hbm>> -> memref<6272xf32, #tpu.memory_space<hbm>>
      tpu.enqueue_dma source(%arg8 : memref<6272xf32, #tpu.memory_space<vmem>>) target(%dma_start3A_11 : memref<6272xf32, #tpu.memory_space<hbm>>) target_semaphore(%run_scoped3A : memref<!tpu.dma_semaphore, #tpu.memory_space<semaphore_mem>>)
      %dma_wait3A_12 = tpu.memref_slice %arg5[%min3A_1] : memref<100000xf32, #tpu.memory_space<hbm>> -> memref<6272xf32, #tpu.memory_space<hbm>>
      %dma_wait3A_13 = tpu.memref_slice %arg5[%min3A_1] : memref<100000xf32, #tpu.memory_space<hbm>> -> memref<6272xf32, #tpu.memory_space<hbm>>
      tpu.wait_dma2 semaphore(%run_scoped3A : memref<!tpu.dma_semaphore, #tpu.memory_space<semaphore_mem>>) src(%arg8 : memref<6272xf32, #tpu.memory_space<vmem>>) dst(%dma_wait3A_13 : memref<6272xf32, #tpu.memory_space<hbm>>)
      tpu.yield
    }) : () -> ()
    return
  }
}

</mosaic_0001>

<sc_bundles>
// kernel: kernel.3.cloned.1.call-start
scs
__scs_entry_jumppad:
0x0: {  	(pc) =	sbr.rel $0x88, $3  }
0x1: {  	(tag) =	ssettag $0x0;
	lr =	simm.s32 $0x1  }
0x2: {  	[smem:$0x3F9E] =	sst lr;
	_ =	strace $0xD0000000  }
0x3: {  	_ = 	snop  }
0x4: {  	_ = 	snop  }
0x5: {  	_ = 	snop  }
0x6: {  	_ = 	snop  }
0x7: {  	_ = 	snop  }
__scs_overlays_trampoline_lowered:
0x8: {  	[smem:$0x3FAD] =	sst s0  }
0x9: {  	[smem:$0x3FAE] =	sst s1  }
0xa: {  	[smem:$0x3FAF] =	sst s2  }
0xb: {  	[smem:$0x3FB0] =	sst s3  }
0xc: {  	[smem:$0x3FB1] =	sst s4  }
0xd: {  	[smem:$0x3FB2] =	sst s5  }
0xe: {  	[smem:$0x3FB3] =	sst s6  }
0xf: {  	[smem:$0x3FB4] =	sst s7  }
0x10: {  	[smem:$0x3FB5] =	sst s8  }
0x11: {  	[smem:$0x3FB6] =	sst s9;
	s0 =	simm.s32 @!p0 $0x0  }
0x12: {  	s1 =	sld [smem:$0x3F9C];
	s0 =	simm.s32 @p0 $0x1  }
0x13: {  	[smem:$0x3FB7] =	sst s0;
	s0 =	simm.s32 @!p1 $0x0  }
0x14: {  	s2 =	sld [smem:$0x3F9B];
	s0 =	simm.s32 @p1 $0x1  }
0x15: {  	[smem:$0x3FB8] =	sst s0;
	s0 =	simm.s32 @!p2 $0x0  }
0x16: {  	s3 =	sld [smem:$0x3FDB];
	s0 =	simm.s32 @p2 $0x1  }
0x17: {  	s4 =	simm.s32 $0x1BF5;
	[smem:$0x3FBA] =	sst s0  }
0x18: {  	s0 =	sld [smem:$0x3F9D];
	_ =	swait.ge [sflag:s4], $0x0  }
0x19: {  	s7 =	sld [smem:$0x3F9E]  }
0x1a: {  	s8 =	sadd.s32 $0xFFFFE003, lr  }
0x1b: {  	s9 =	sadd.s32 $0xFFFFFEF7, lr;
	s5 =	simm.s32 $0xFFFFFFFF;
	p2 =	slt.u32 s8, $0xFFFFF086  }
0x1c: {  	p1 =	slt.u32 s9, $0xF7A;
	s5 =	simm.s32 @!p2 $0x0  }
0x1d: {  	s5 =	simm.s32 @p1 $0x1;
	p0 =	seq.s32 s7, s2  }
0x1e: {  	s7 =	smul.u32 @!p0 $0xF7A, s2;
	p2 =	seq.s32 @!p0 s5, $0x0  }
0x1f: {  	s9 =	smul.u32 $0xF7A, s1;
	s8 =	simm.s32 @!p0 $0x1BF5;
	p2 =	por !p2, p0  }
0x20: {  	[sflag:s8] =	ssyncset.s32 @!p0 $0xFFFFF086;
	s6 =	sadd.s32 @!p0 s3, s7;
	s7 =	simm.s32 @!p0 $0x108  }
0x21: {  	s3 =	sadd.s32 s3, s9;
	s6 =	sadd.s32 @!p0 $0x88, s6;
	s7 =	simm.s32 @p2 $0x1082  }
0x22: {  	[simem:s7], [sflag:s8] =	dma.local @!p0 [hbm:s6], $0xF7A  }
0x23: {  	s9 =	sor.u32 $0xD0000000, s2;
	s6 =	simm.s32 $0x108;
	_ =	swait.ge @!p0 [sflag:s8], $0x0  }
0x24: {  	s3 =	sadd.s32 $0x88, s3;
	s6 =	simm.s32 @!p1 $0x1082;
	[sflag:s4] =	ssyncset.s32 $0xFFFFF086  }
0x25: {  	[simem:s6], [sflag:s4] =	dma.local [hbm:s3], $0xF7A  }
0x26: {  	[smem:$0x3F9E] =	sst s1;
	(tag) =	ssettag s2;
	_ =	strace s9  }
0x27: {  	s1 =	sld [smem:$0x3FAE]  }
0x28: {  	s2 =	sld [smem:$0x3FAF]  }
0x29: {  	s4 =	sld [smem:$0x3FB1]  }
0x2a: {  	p0 =	seq.s32 s5, $0x0;
	s5 =	sld [smem:$0x3FB2]  }
0x2b: {  	s6 =	sld [smem:$0x3FB3]  }
0x2c: {  	s7 =	sld [smem:$0x3FB4]  }
0x2d: {  	s3 =	simm.s32 $0x108;
	s8 =	sld [smem:$0x3FB5]  }
0x2e: {  	s3 =	simm.s32 @!p0 $0x1082;
	s9 =	sld [smem:$0x3FB6]  }
0x2f: {  	lr =	sadd.s32 s0, s3;
	s0 =	sld [smem:$0x3FAD]  }
0x30: {  	s3 =	sld [smem:$0x3FB0]  }
0x31: {  	[smem:$0x3FB9] =	sst s10  }
0x32: {  	s10 =	sld [smem:$0x3FB7];
	_ =	sdelay $0x3  }
0x33: {  	p0 =	seq.s32 s10, $0x1;
	s10 =	sld [smem:$0x3FB9];
	_ =	sdelay $0x3  }
0x34: {  	[smem:$0x3FB9] =	sst s10  }
0x35: {  	s10 =	sld [smem:$0x3FB8];
	_ =	sdelay $0x3  }
0x36: {  	p1 =	seq.s32 s10, $0x1;
	s10 =	sld [smem:$0x3FB9];
	_ =	sdelay $0x3  }
0x37: {  	[smem:$0x3FB9] =	sst s10  }
0x38: {  	s10 =	sld [smem:$0x3FBA]  }
0x39: {  	_ = 	snop;
	(pc) =	sbr.ind lr, $3  }
0x3a: {  	_ = 	snop  }
0x3b: {  	_ = 	snop  }
0x3c: {  	p2 =	seq.s32 s10, $0x1;
	s10 =	sld [smem:$0x3FB9]  }
0x3d: {  	_ =	shalt  }
0x3e: {  	_ =	shalt  }
0x3f: {  	_ =	shalt  }
0x40: {  	_ =	shalt  }
0x41: {  	_ =	shalt  }
0x42: {  	_ =	shalt  }
0x43: {  	_ =	shalt  }
0x44: {  	_ =	shalt  }
0x45: {  	_ =	shalt  }
0x46: {  	_ =	shalt  }
0x47: {  	_ =	shalt  }
0x48: {  	_ =	shalt  }
0x49: {  	_ =	shalt  }
0x4a: {  	_ =	shalt  }
0x4b: {  	_ =	shalt  }
0x4c: {  	_ =	shalt  }
0x4d: {  	_ =	shalt  }
0x4e: {  	_ =	shalt  }
0x4f: {  	_ =	shalt  }
0x50: {  	_ =	shalt  }
0x51: {  	_ =	shalt  }
0x52: {  	_ =	shalt  }
0x53: {  	_ =	shalt  }
0x54: {  	_ =	shalt  }
0x55: {  	_ =	shalt  }
0x56: {  	_ =	shalt  }
0x57: {  	_ =	shalt  }
0x58: {  	_ =	shalt  }
0x59: {  	_ =	shalt  }
0x5a: {  	_ =	shalt  }
0x5b: {  	_ =	shalt  }
0x5c: {  	_ =	shalt  }
0x5d: {  	_ =	shalt  }
0x5e: {  	_ =	shalt  }
0x5f: {  	_ =	shalt  }
0x60: {  	_ =	shalt  }
0x61: {  	_ =	shalt  }
0x62: {  	_ =	shalt  }
0x63: {  	_ =	shalt  }
0x64: {  	_ =	shalt  }
0x65: {  	_ =	shalt  }
0x66: {  	_ =	shalt  }
0x67: {  	_ =	shalt  }
0x68: {  	_ =	shalt  }
0x69: {  	_ =	shalt  }
0x6a: {  	_ =	shalt  }
0x6b: {  	_ =	shalt  }
0x6c: {  	_ =	shalt  }
0x6d: {  	_ =	shalt  }
0x6e: {  	_ =	shalt  }
0x6f: {  	_ =	shalt  }
0x70: {  	_ =	shalt  }
0x71: {  	_ =	shalt  }
0x72: {  	_ =	shalt  }
0x73: {  	_ =	shalt  }
0x74: {  	_ =	shalt  }
0x75: {  	_ =	shalt  }
0x76: {  	_ =	shalt  }
0x77: {  	_ =	shalt  }
0x78: {  	_ =	shalt  }
0x79: {  	_ =	shalt  }
0x7a: {  	_ =	shalt  }
0x7b: {  	_ =	shalt  }
0x7c: {  	_ =	shalt  }
0x7d: {  	_ =	shalt  }
0x7e: {  	_ =	shalt  }
0x7f: {  	_ =	shalt  }
0x80: {  	_ =	shalt  }
0x81: {  	_ =	shalt  }
0x82: {  	_ =	shalt  }
0x83: {  	_ =	shalt  }
0x84: {  	_ =	shalt  }
0x85: {  	_ =	shalt  }
0x86: {  	_ =	shalt  }
0x87: {  	_ =	shalt  }
.Lfunc_end0:
.L_simem_size_0:
called_computation_lowered:
.L_overlay_start_0:
0x88: {  	s0 =	sld [smem:$0x3FD9]  }
0x89: {  	s1 =	sld [smem:$0x3FFE];
	_ =	sdelay $0x3  }
0x8a: {  	s0 =	sadd.s32 s1, s0  }
0x8b: {  	[smem:$0x3FC5] =	sst s0  }
0x8c: {  	_ = 	snop  }
0x8d: {  	s0 =	sld [smem:$0x3FC9]  }
0x8e: {  	s17 =	sld [smem:$0x3FC8]  }
0x8f: {  	s2 =	sld [smem:$0x3FC7]  }
0x90: {  	s3 =	sld [smem:$0x3FD0];
	(tm) =	ssettm $0x1  }
0x91: {  	s4 =	sld [smem:$0x3FFB];
	_ =	sdelay $0x3  }
0x92: {  	_ =	strace s4  }
0x93: {  	s4 =	sld [smem:$0x3FFC];
	_ =	sdelay $0x3  }
0x94: {  	_ =	strace s4  }
0x95: {  	s4 =	sld [smem:$0x3FFD];
	_ =	sdelay $0x3  }
0x96: {  	_ =	strace s4  }
0x97: {  	_ =	strace $0x8FFFFFFF  }
0x98: {  	s18 =	sld [smem:$0x3FDB];
	_ =	sdelay $0x1  }
0x99: {  	s5 =	simm.s32 $_scs_section_size  }
0x9a: {  	s6 =	simm.s32 $_size__tile_overlayer_lowered;
	s7 =	simm.s32 $_tile_overlayer_lowered  }
0x9b: {  	s21 =	simm.s32 $0x1BFF;
	s20 =	sshll.u32 s7, $0x1;
	s4 =	sadd.s32 s5, s18  }
0x9c: {  	s8 =	simm.s32 $0x0;
	s19 =	sshll.u32 s6, $0x1;
	s6 =	sadd.s32 s20, s4  }
0x9d: {  	[timem:s8], [sflag:s21] =	dma.local [hbm:s6], s19  }
0x9e: {  	_ =	swait.ge [sflag:s21], s19  }
0x9f: {  	s5 =	ssub.s32 $0x0, s19;
	[sflag:s21] =	ssyncset.done $0x0  }
0xa0: {  	[sflag:s21] =	ssyncadd.s32 s5;
	_ =	sdelay $0x1  }
0xa1: {  	s22 =	simm.s32 $0x1B8B  }
0xa2: {  	_ =	swait.ge [sflag:s22], $0x1  }
0xa3: {  	[sflag:s22] =	ssyncset.done $0x0  }
0xa4: {  	s23 =	simm.s32 $0x1B8E;
	[sflag:s22] =	ssyncadd.s32 $0xFFFFFFFF  }
0xa5: {  	s24 =	simm.s32 $execute0_lowered;
	[smem:$0x3FD2] =	sst s23  }
0xa6: {  	s5 =	sshll.u32 s24, $0x1;
	_ =	strace $0x80000046;
	[dreg:$0x1] =	wrdreg $0xFFFFFFFF  }
0xa7: {  	s25 =	simm.s32 $_size_execute0_lowered;
	s4 =	sadd.s32 s4, s5;
	[dreg:$0x0] =	wrdreg $0x0  }
0xa8: {  	s5 =	sshll.u32 s25, $0x1;
	[dreg:$0x2] =	wrdreg s4  }
0xa9: {  	[dreg:$0x3] =	wrdreg s5  }
0xaa: {  	[dreg:$0x4] =	wrdreg $0xC0  }
0xab: {  	_ =	task [dreg:s8], $0x5FFFF  }
0xac: {  	[dreg:$0x1] =	wrdreg $0xFFFFFFFF  }
0xad: {  	[dreg:$0x0] =	wrdreg $0x60  }
0xae: {  	[dreg:$0x2] =	wrdreg s0  }
0xaf: {  	[dreg:$0x3] =	wrdreg s17  }
0xb0: {  	[dreg:$0x4] =	wrdreg s2  }
0xb1: {  	[dreg:$0x5] =	wrdreg s3  }
0xb2: {  	[dreg:$0x6] =	wrdreg $0x9  }
0xb3: {  	_ =	task.clear_ibuf [dreg:s8], $0x7FFFF;
	_ =	strace $0x90000046  }
0xb4: {  	s26 =	simm.s32 $0x9;
	_ =	strace $0x80000048  }
0xb5: {  	_ =	swait.ge [sflag:s26], $0x1  }
0xb6: {  	[sflag:s26] =	ssyncadd.s32 $0xFFFFFFFF  }
0xb7: {  	_ =	strace $0x90000048  }
0xb8: {  	_ =	sfence  }
0xb9: {  	s28 =	sld [smem:$0x0];
	_ =	sdelay $0x1  }
0xba: {  	s29 =	srdreg.scid  }
0xbb: {  	s30 =	sshll.u32 s29, $0xD;
	s31 =	sshrl.u32 s29, $0x2  }
0xbc: {  	s1 =	sand.u32 $0x1, s29;
	s2 =	sand.u32 $0x4000, s30;
	s0 =	sadd.s32 s31, s28  }
0xbd: {  	s1 =	sor.u32 s2, s1;
	s0 =	sshll.u32 s0, $0x11  }
0xbe: {  	s0 =	sor.u32 s0, s1  }
0xbf: {  	s0 =	sadd.s32 $0x8F2B, s0  }
0xc0: {  	[sflag:s0] =	ssyncadd.remote.s32 $0x1  }
0xc1: {  	_ =	sfence.sel $0xFFFF  }
0xc2: {  	[dreg:$0x0] =	wrdreg $0xFFFFFFFF;
	(pc) =	sbr.abs _section_cstart, $3  }
0xc3: {  	[dreg:$0x1] =	wrdreg $0xFFFFFFFF  }
0xc4: {  	_ =	task.clear_ibuf [dreg:s8], $0x2FFFF;
	_ =	strace $0x9FFFFFFF  }
0xc5: {  	(tm) =	ssettm $0x7FFFFFFF  }
tec
execute0_lowered:
.L_overlay_start_1:
0x0: {  	(tag) =	ssettag $0x1  }
0x1: {  	s5 =	rddreg [dreg:$0x0]  }
0x2: {  	s6 =	rddreg [dreg:$0x1]  }
0x3: {  	s7 =	rddreg [dreg:$0x2]  }
0x4: {  	s0 =	stileid.u32;
	s2 =	rddreg [dreg:$0x3]  }
0x5: {  	s1 =	rddreg [dreg:$0x4];
	s8 =	simm.s32 $0x0;
	s3 =	smul.u32 $0x1880, s0  }
0x6: {  	[smem:$0x7FF] =	sst s8  }
0x7: {  	s4 =	simm.s32 $0x4980;
	_ =	strace $0x80000047;
	s3 =	smin.u32 s3, $0x16E20  }
0x8: {  	[tilespmem:s4], [sflag:$0x1] =	stream.linear.gather [hbm4b:s7+s8], $0x80, $0x38;
	[tilespmem:$0x4A00] =	vst v63  }
0x9: {  	s3 =	sshrl.u32 s3, $0x3  }
0xa: {  	s5 =	sadd.s32 s5, s3  }
0xb: {  	[tilespmem:s8], [sflag:$0x1] =	stream.linear.gather [hbm4b:s5+s8], $0x1880, $0x38;
	[tilespmem:$0x4A00] =	vst v63  }
0xc: {  	s26 =	simm.s32 $0x1880;
	s28 =	simm.s32 $0x1;
	s25 =	sadd.s32 s6, s3  }
0xd: {  	[tilespmem:s26], [sflag:$0x1] =	stream.linear.gather [hbm4b:s25+s8], $0x1880, $0x38;
	[tilespmem:$0x4A00] =	vst v63  }
0xe: {  	_ =	swait.ge [sflag:s28], $0x80  }
0xf: {  	[sflag:s28] =	ssyncset.done $0x0  }
0x10: {  	[sflag:s28] =	ssyncadd.s32 $0xFFFFFF80  }
0x11: {  	_ =	swait.ge [sflag:s28], $0x1880  }
0x12: {  	[sflag:s28] =	ssyncset.done $0x0  }
0x13: {  	[sflag:s28] =	ssyncadd.s32 $0xFFFFE780  }
0x14: {  	_ =	swait.ge [sflag:s28], $0x1880  }
0x15: {  	[sflag:s28] =	ssyncset.done $0x0  }
0x16: {  	s29 =	simm.s32 $0x18A0;
	[sflag:s28] =	ssyncadd.s32 $0xFFFFE780  }
0x17: {  	v0 =	vld [tilespmem:s29+$0x10]  }
0x18: {  	v1 =	vld [tilespmem:s29+$0xFFFFFFE0]  }
0x19: {  	v2 =	vld [tilespmem:s29+$0xFFFFFFF0];
	_ =	sdelay $0x2  }
0x1a: {  	s30 =	simm.s32 $0x20;
	v4 =	vld [tilespmem:s29+$0x0]  }
0x1b: {  	s31 =	simm.s32 $0x18E0;
	v7 =	vld [tilespmem:s30+$0x10]  }
0x1c: {  	v8 =	vld [tilespmem:s31+$0xFFFFFFE0]  }
0x1d: {  	v5 =	vld.idx.msk [tilespmem:v0+s4+$0x0], $0xffff  }
0x1e: {  	v0 =	vld.idx.msk [tilespmem:v1+s4+$0x0], $0xffff  }
0x1f: {  	v1 =	vld.idx.msk [tilespmem:v2+s4+$0x0], $0xffff  }
0x20: {  	v2 =	vld [tilespmem:s31+$0x10]  }
0x21: {  	v9 =	vld [tilespmem:s31+$0xFFFFFFF0]  }
0x22: {  	v3 =	vld [tilespmem:s31+$0x0]  }
0x23: {  	v11 =	vld [tilespmem:s30+$0xFFFFFFF0]  }
0x24: {  	v12 =	vld [tilespmem:s30+$0x0]  }
0x25: {  	v10 =	vld.idx.msk [tilespmem:v4+s4+$0x0], $0xffff  }
0x26: {  	s6 =	simm.s32 $0x60;
	v6 =	vld [tilespmem:s30+$0xFFFFFFE0]  }
0x27: {  	v7 =	vadd.f32 v5, v7;
	v5 =	vld [tilespmem:s6+$0x10]  }
0x28: {  	s5 =	simm.s32 $0x3120;
	v4 =	vld.idx.msk [tilespmem:v2+s4+$0x0], $0xffff  }
0x29: {  	[tilespmem:s5+$0x10] =	vst v7;
	v7 =	vadd.f32 v1, v11;
	v1 =	vld.idx.msk [tilespmem:v9+s4+$0x0], $0xffff  }
0x2a: {  	s7 =	simm.s32 $0x40;
	s8 =	simm.s32 $0x1920;
	v2 =	vld.idx.msk [tilespmem:v8+s4+$0x0], $0xffff;
	v8 =	vadd.f32 v10, v12  }
.LBB2_1:
0x2b: {  	v9 =	vld [tilespmem:s8+$0x10];
	s7 =	sadd.s32 $0x40, s7;
	v0 =	vadd.f32 v0, v6;
	[tilespmem:s5+$0xFFFFFFF0] =	vst v7  }
0x2c: {  	v7 =	vld [tilespmem:s8+$0xFFFFFFE0];
	p0 =	slt.u32 s7, $0x1840;
	[tilespmem:s5+$0x0] =	vst v8  }
0x2d: {  	v8 =	vld [tilespmem:s8+$0xFFFFFFF0];
	v4 =	vadd.f32 v4, v5;
	[tilespmem:s5+$0xFFFFFFE0] =	vst v0  }
0x2e: {  	s5 =	sadd.s32 $0x40, s5;
	v5 =	vld [tilespmem:s8+$0x0]  }
0x2f: {  	v10 =	vld.idx.msk [tilespmem:v3+s4+$0x0], $0xffff;
	[tilespmem:s5+$0x10] =	vst v4;
	v0 =	vmov v2  }
0x30: {  	v11 =	vld [tilespmem:s6+$0xFFFFFFF0]  }
0x31: {  	v12 =	vld [tilespmem:s6+$0x0]  }
.Ltmp0:
0x32: {  	v6 =	vld [tilespmem:s6+$0xFFFFFFE0];
	(pc) =	sbr.rel @p0 .LBB2_1-.Ltmp0, $4  }
0x33: {  	s6 =	sadd.s32 $0x40, s6;
	v4 =	vld.idx.msk [tilespmem:v9+s4+$0x0], $0xffff;
	v3 =	vmov v5  }
0x34: {  	v5 =	vld [tilespmem:s6+$0x10]  }
0x35: {  	v2 =	vld.idx.msk [tilespmem:v7+s4+$0x0], $0xffff;
	v7 =	vadd.f32 v1, v11  }
0x36: {  	s8 =	sadd.s32 $0x40, s8;
	v1 =	vld.idx.msk [tilespmem:v8+s4+$0x0], $0xffff;
	v8 =	vadd.f32 v10, v12  }
0x37: {  	_ =	sdelay $0x3  }
0x38: {  	v3 =	vld.idx.msk [tilespmem:v3+s4+$0x0], $0xffff  }
0x39: {  	v9 =	vld [tilespmem:s6+$0xFFFFFFF0]  }
0x3a: {  	v10 =	vld [tilespmem:s6+$0x0]  }
0x3b: {  	v11 =	vld [tilespmem:s6+$0xFFFFFFE0]  }
0x3c: {  	v0 =	vadd.f32 v0, v6;
	[tilespmem:s5+$0xFFFFFFF0] =	vst v7  }
0x3d: {  	[tilespmem:s5+$0x0] =	vst v8;
	v4 =	vadd.f32 v4, v5  }
0x3e: {  	s28 =	sadd.s32 $0x40, s5;
	[tilespmem:s5+$0xFFFFFFE0] =	vst v0;
	v62 =	vadd.f32 v1, v9  }
0x3f: {  	[tilespmem:s28+$0x10] =	vst v4;
	v63 =	vadd.f32 v3, v10  }
0x40: {  	v2 =	vadd.f32 v2, v11;
	[tilespmem:s28+$0xFFFFFFF0] =	vst v62  }
0x41: {  	s2 =	sadd.s32 s2, s3;
	[tilespmem:s28+$0x0] =	vst v63  }
0x42: {  	s29 =	simm.s32 $0x0;
	s30 =	simm.s32 $0x3100;
	s31 =	simm.s32 $0x2;
	[tilespmem:s28+$0xFFFFFFE0] =	vst v2  }
0x43: {  	[hbm4b:s2+s29] =	stream.linear.scatter [tilespmem:s30], [sflag:$0x2], $0x1880, $0x38;
	[tilespmem:$0x4A00] =	vst v63  }
0x44: {  	_ =	swait.ge [sflag:s31], $0x1880  }
0x45: {  	[sflag:s31] =	ssyncset.done $0x0  }
0x46: {  	[sflag:s31] =	ssyncadd.s32 $0xFFFFE780  }
0x47: {  	_ =	sfence.sel $0x180000  }
0x48: {  	[bflag:$0x0] =	sbarrier.arrive $0xFFFF  }
0x49: {  	p0 =	sne.s32 s0, $0x0;
	_ =	strace $0x90000047  }
0x4a: {  	s0 =	sadd.s32 @!p0 $0x100000, s1;
	[bflag:$0x2] =	sbarrier.arrive $0xFFFF  }
0x4b: {  	[sflag:s0] =	ssyncadd.tile.s32 @!p0 $0x1;
	_ =	shalt  }
.Lfunc_end2:
_tile_overlayer_lowered:
.L_overlay_start_2:
0x4c: {  	(tag) =	ssettag $0x2  }
0x4d: {  	s0 =	rddreg [dreg:$0x0];
	s2 =	stileid.u32  }
0x4e: {  	s1 =	rddreg [dreg:$0x1];
	p0 =	sne.s32 s2, $0x0  }
0x4f: {  	s3 =	rddreg [dreg:$0x2];
	[bflag:$0x3] =	sbarrier.arrive $0xFFFF;
	s2 =	simm.s32 @!p0 $0x1C02  }
0x50: {  	[timem:s3], [sflag:s2] =	dma.local @!p0 [hbm:s0], s1  }
0x51: {  	s0 =	simm.s32 @!p0 $0x2  }
0x52: {  	_ =	swait.ge @!p0 [sflag:s0], s1  }
0x53: {  	s1 =	ssub.s32 @!p0 $0x0, s1;
	[sflag:s0] =	ssyncset.done @!p0 $0x0  }
0x54: {  	[sflag:s0] =	ssyncadd.s32 @!p0 s1  }
0x55: {  	[bflag:$0x3] =	sbarrier.arrive $0xFFFF  }
0x56: {  	_ =	shalt  }

</sc_bundles>
